<compile_context>
chip_gen: v7x
topology: tpu7x:2x2x1
jax: 0.10.2.dev20260603
libtpu: 0.0.44.dev20260713+nightly
codegen_flags: <defaults>
</compile_context>

<pallas_src>
import functools

import jax
import jax.numpy as jnp
from jax import lax
from jax.experimental import pallas as pl
from jax.experimental.pallas import tpu as pltpu
from jax.experimental.pallas import tpu_sc as plsc

B = 16
NUM_FRAMES = 998
FRAME_SIZE = 400
FRAME_SHIFT = 160
SAMPLES = 160000
NW = 32
FPW = (B * NUM_FRAMES) // NW
SPAN = FRAME_SHIFT * (FPW - 1) + FRAME_SIZE


@functools.partial(
    pl.kernel,
    out_type=jax.ShapeDtypeStruct((B * NUM_FRAMES * FRAME_SIZE,), jnp.float32),
    mesh=plsc.VectorSubcoreMesh(core_axis_name="c", subcore_axis_name="s"),
    scratch_types=[
        pltpu.VMEM((SPAN,), jnp.float32),
        pltpu.SemaphoreType.DMA,
    ],
)
def _frame_copy(in_hbm, out_hbm, in_v, sem):
    wid = lax.axis_index("s") * 2 + lax.axis_index("c")
    b = wid // 2
    n0 = (wid % 2) * FPW
    in_base = b * SAMPLES + n0 * FRAME_SHIFT
    out_base = (b * NUM_FRAMES + n0) * FRAME_SIZE

    pltpu.sync_copy(in_hbm.at[pl.ds(in_base, SPAN)], in_v)

    def issue(t, carry):
        pltpu.async_copy(
            in_v.at[pl.ds(t * FRAME_SHIFT, FRAME_SIZE)],
            out_hbm.at[pl.ds(out_base + t * FRAME_SIZE, FRAME_SIZE)],
            sem,
        )
        return carry

    lax.fori_loop(0, FPW, issue, 0)

    def drain(words):
        pltpu.make_async_copy(
            in_hbm.at[pl.ds(0, words)], in_v.at[pl.ds(0, words)], sem
        ).wait()

    total = FPW * FRAME_SIZE
    drain(SPAN)
    drain(SPAN)
    drain(total - 2 * SPAN)


def kernel(inputs):
    out = _frame_copy(inputs.reshape(B * SAMPLES))
    return out.reshape(B, NUM_FRAMES, FRAME_SIZE)

# --- scband reference (transcript-rebuilt; emitter-appended) ---
"""Pipeline reference for scband-framing-18897856102688 (READ-ONLY COPY).

The authoritative reference and input builder live on the scoring server;
editing this copy changes nothing except your own understanding.
"""

import jax, jax.numpy as jnp
import numpy as np

# Kaldi-style framing config: 25ms frames, 10ms shift @ 16kHz
SAMPLE_FREQ = 16000.0
FRAME_LEN_MS = 25.0
FRAME_SHIFT_MS = 10.0
FRAME_SIZE = int(SAMPLE_FREQ * FRAME_LEN_MS / 1000.0)   # 400
FRAME_SHIFT = int(SAMPLE_FREQ * FRAME_SHIFT_MS / 1000.0) # 160
HALF_FRAME = FRAME_SIZE // 2                             # 200


def compute_frame_indexes(num_samples: int) -> jnp.ndarray:
    # center indexes: range(halfFrameSize, numSamples - halfFrameSize + 1, frameShift)
    centers = jnp.arange(HALF_FRAME, num_samples - HALF_FRAME + 1, FRAME_SHIFT)
    # offsets: range(-halfFrameSize, halfFrameSize), shape (1, frameSize)
    offsets = jnp.arange(-HALF_FRAME, HALF_FRAME)
    # indexes shape: (numFrames, frameSize)
    return centers[:, None] + offsets[None, :]


def setup_inputs(seed: int = 0) -> dict:
    key = jax.random.key(seed)
    inputs = jax.random.normal(key, (16, 160000), dtype=jnp.float32)
    return {"inputs": inputs}


def reference(inputs):
    # static input shape path (dynamic_input_shape=False):
    # frames = tf.gather(inputs, frameIndexes, axis=-1)
    num_samples = inputs.shape[-1]
    frame_indexes = compute_frame_indexes(num_samples)  # (998, 400)
    # gather along last axis: output shape (batch, numFrames, frameSize)
    frames = jnp.take(inputs, frame_indexes, axis=-1)
    return frames

if __name__ == "__main__":
    import jax
    _d = setup_inputs()
    print(jax.jit(kernel)(*tuple(_d.values())))

</pallas_src>

<mosaic_0001>
#map = affine_map<(d0, d1) -> (0)>
module attributes {stable_mosaic.version = 14 : i64} {
  func.func @_frame_copy(%arg0: i32, %arg1: i32, %arg2: memref<2560000xf32, #tpu.memory_space<hbm>>, %arg3: memref<6387200xf32, #tpu.memory_space<hbm>>, %arg4: memref<80080xf32, #tpu.memory_space<vmem>>, %arg5: memref<!tpu.dma_semaphore, #tpu.memory_space<semaphore_mem>>) attributes {dimension_semantics = [#tpu.dimension_semantics<core_parallel>, #tpu.dimension_semantics<subcore_parallel>], iteration_bounds = array<i64: 2, 16>, scalar_prefetch = 0 : i64, scratch_operands = 2 : i64, tpu.core_type = #tpu.core_type<sc_vector_subcore>, window_params = [{transform_indices = #map}, {transform_indices = #map}]} {
    %mul3A = arith.constant 2 : i32
    %mul3A_0 = arith.muli %arg1, %mul3A : i32
    %add3A = arith.addi %mul3A_0, %arg0 : i32
    %jit3A = arith.constant 2 : i32
    %div3A = arith.divsi %add3A, %jit3A : i32
    %sign3A = arith.constant 0 : i32
    %sign3A_1 = arith.cmpi sgt, %add3A, %sign3A : i32
    %sign3A_2 = arith.extui %sign3A_1 : i1 to i32
    %sign3A_3 = arith.constant 0 : i32
    %sign3A_4 = arith.cmpi slt, %add3A, %sign3A_3 : i32
    %sign3A_5 = arith.extui %sign3A_4 : i1 to i32
    %sign3A_6 = arith.subi %sign3A_2, %sign3A_5 : i32
    %sign3A_7 = arith.constant 0 : i32
    %sign3A_8 = arith.cmpi sgt, %jit3A, %sign3A_7 : i32
    %sign3A_9 = arith.extui %sign3A_8 : i1 to i32
    %sign3A_10 = arith.constant 0 : i32
    %sign3A_11 = arith.cmpi slt, %jit3A, %sign3A_10 : i32
    %sign3A_12 = arith.extui %sign3A_11 : i1 to i32
    %sign3A_13 = arith.subi %sign3A_9, %sign3A_12 : i32
    %ne3A = arith.cmpi ne, %sign3A_6, %sign3A_13 : i32
    %rem3A = arith.remsi %add3A, %jit3A : i32
    %ne3A_14 = arith.constant 0 : i32
    %ne3A_15 = arith.cmpi ne, %rem3A, %ne3A_14 : i32
    %and3A = arith.andi %ne3A, %ne3A_15 : i1
    %sub3A = arith.constant 1 : i32
    %sub3A_16 = arith.subi %div3A, %sub3A : i32
    %select_n3A = arith.select %and3A, %sub3A_16, %div3A : i32
    %jit3A_17 = arith.constant 2 : i32
    %eq3A = arith.constant 0 : i32
    %eq3A_18 = arith.cmpi eq, %jit3A_17, %eq3A : i32
    %jit3A_19 = arith.constant 1 : i32
    %select_n3A_20 = arith.select %eq3A_18, %jit3A_19, %jit3A_17 : i32
    %rem3A_21 = arith.remsi %add3A, %select_n3A_20 : i32
    %ne3A_22 = arith.constant 0 : i32
    %ne3A_23 = arith.cmpi ne, %rem3A_21, %ne3A_22 : i32
    %lt3A = arith.constant 0 : i32
    %lt3A_24 = arith.cmpi slt, %rem3A_21, %lt3A : i32
    %lt3A_25 = arith.constant 0 : i32
    %lt3A_26 = arith.cmpi slt, %select_n3A_20, %lt3A_25 : i32
    %ne3A_27 = arith.xori %lt3A_24, %lt3A_26 : i1
    %and3A_28 = arith.andi %ne3A_27, %ne3A_23 : i1
    %add3A_29 = arith.addi %rem3A_21, %select_n3A_20 : i32
    %select_n3A_30 = arith.select %and3A_28, %add3A_29, %rem3A_21 : i32
    %mul3A_31 = arith.constant 499 : i32
    %mul3A_32 = arith.muli %select_n3A_30, %mul3A_31 : i32
    %mul3A_33 = arith.constant 160000 : i32
    %mul3A_34 = arith.muli %select_n3A, %mul3A_33 : i32
    %mul3A_35 = arith.constant 160 : i32
    %mul3A_36 = arith.muli %mul3A_32, %mul3A_35 : i32
    %add3A_37 = arith.addi %mul3A_34, %mul3A_36 : i32
    %mul3A_38 = arith.constant 998 : i32
    %mul3A_39 = arith.muli %select_n3A, %mul3A_38 : i32
    %add3A_40 = arith.addi %mul3A_39, %mul3A_32 : i32
    %mul3A_41 = arith.constant 400 : i32
    %mul3A_42 = arith.muli %add3A_40, %mul3A_41 : i32
    "tpu.region"() ({
      %run_scoped3A = tpu.sem_alloc : memref<!tpu.dma_semaphore, #tpu.memory_space<semaphore_mem>>
      %dma_start3A = tpu.memref_slice %arg2[%add3A_37] : memref<2560000xf32, #tpu.memory_space<hbm>> -> memref<80080xf32, #tpu.memory_space<hbm>>
      %dma_start3A_71 = tpu.memref_slice %arg2[%add3A_37] : memref<2560000xf32, #tpu.memory_space<hbm>> -> memref<80080xf32, #tpu.memory_space<hbm>>
      tpu.enqueue_dma source(%dma_start3A_71 : memref<80080xf32, #tpu.memory_space<hbm>>) target(%arg4 : memref<80080xf32, #tpu.memory_space<vmem>>) target_semaphore(%run_scoped3A : memref<!tpu.dma_semaphore, #tpu.memory_space<semaphore_mem>>)
      %dma_wait3A_72 = tpu.memref_slice %arg2[%add3A_37] : memref<2560000xf32, #tpu.memory_space<hbm>> -> memref<80080xf32, #tpu.memory_space<hbm>>
      %dma_wait3A_73 = tpu.memref_slice %arg2[%add3A_37] : memref<2560000xf32, #tpu.memory_space<hbm>> -> memref<80080xf32, #tpu.memory_space<hbm>>
      tpu.wait_dma2 semaphore(%run_scoped3A : memref<!tpu.dma_semaphore, #tpu.memory_space<semaphore_mem>>) src(%dma_wait3A_73 : memref<80080xf32, #tpu.memory_space<hbm>>) dst(%arg4 : memref<80080xf32, #tpu.memory_space<vmem>>)
      tpu.yield
    }) : () -> ()
    %scan3A = arith.constant 0 : i32
    %scan3A_43 = arith.constant 0 : i32
    %scan3A_44 = arith.constant 499 : i32
    %scan3A_45 = arith.addi %scan3A_43, %scan3A_44 : i32
    %scan3A_46 = arith.constant 1 : i32
    scf.for %scan3A_71 = %scan3A_43 to %scan3A_45 step %scan3A_46  : i32 {
      %mul3A_72 = arith.constant 160 : i32
      %mul3A_73 = arith.muli %scan3A_71, %mul3A_72 : i32
      %mul3A_74 = arith.constant 400 : i32
      %mul3A_75 = arith.muli %scan3A_71, %mul3A_74 : i32
      %add3A_76 = arith.addi %mul3A_42, %mul3A_75 : i32
      %dma_start3A = tpu.memref_slice %arg4[%mul3A_73] : memref<80080xf32, #tpu.memory_space<vmem>> -> memref<400xf32, #tpu.memory_space<vmem>>
      %dma_start3A_77 = tpu.memref_slice %arg3[%add3A_76] : memref<6387200xf32, #tpu.memory_space<hbm>> -> memref<400xf32, #tpu.memory_space<hbm>>
      %dma_start3A_78 = tpu.memref_slice %arg3[%add3A_76] : memref<6387200xf32, #tpu.memory_space<hbm>> -> memref<400xf32, #tpu.memory_space<hbm>>
      %dma_start3A_79 = tpu.memref_slice %arg4[%mul3A_73] : memref<80080xf32, #tpu.memory_space<vmem>> -> memref<400xf32, #tpu.memory_space<vmem>>
      tpu.enqueue_dma source(%dma_start3A_79 : memref<400xf32, #tpu.memory_space<vmem>>) target(%dma_start3A_78 : memref<400xf32, #tpu.memory_space<hbm>>) target_semaphore(%arg5 : memref<!tpu.dma_semaphore, #tpu.memory_space<semaphore_mem>>)
    }
    %scan3A_47 = arith.constant 499 : i32
    %dma_wait3A = arith.constant 0 : i32
    %dma_wait3A_48 = tpu.memref_slice %arg4[%dma_wait3A] : memref<80080xf32, #tpu.memory_space<vmem>> -> memref<80080xf32, #tpu.memory_space<vmem>>
    %dma_wait3A_49 = arith.constant 0 : i32
    %dma_wait3A_50 = tpu.memref_slice %arg2[%dma_wait3A_49] : memref<2560000xf32, #tpu.memory_space<hbm>> -> memref<80080xf32, #tpu.memory_space<hbm>>
    %dma_wait3A_51 = arith.constant 0 : i32
    %dma_wait3A_52 = tpu.memref_slice %arg4[%dma_wait3A_51] : memref<80080xf32, #tpu.memory_space<vmem>> -> memref<80080xf32, #tpu.memory_space<vmem>>
    %dma_wait3A_53 = arith.constant 0 : i32
    %dma_wait3A_54 = tpu.memref_slice %arg2[%dma_wait3A_53] : memref<2560000xf32, #tpu.memory_space<hbm>> -> memref<80080xf32, #tpu.memory_space<hbm>>
    tpu.wait_dma2 semaphore(%arg5 : memref<!tpu.dma_semaphore, #tpu.memory_space<semaphore_mem>>) src(%dma_wait3A_54 : memref<80080xf32, #tpu.memory_space<hbm>>) dst(%dma_wait3A_52 : memref<80080xf32, #tpu.memory_space<vmem>>)
    %dma_wait3A_55 = arith.constant 0 : i32
    %dma_wait3A_56 = tpu.memref_slice %arg4[%dma_wait3A_55] : memref<80080xf32, #tpu.memory_space<vmem>> -> memref<80080xf32, #tpu.memory_space<vmem>>
    %dma_wait3A_57 = arith.constant 0 : i32
    %dma_wait3A_58 = tpu.memref_slice %arg2[%dma_wait3A_57] : memref<2560000xf32, #tpu.memory_space<hbm>> -> memref<80080xf32, #tpu.memory_space<hbm>>
    %dma_wait3A_59 = arith.constant 0 : i32
    %dma_wait3A_60 = tpu.memref_slice %arg4[%dma_wait3A_59] : memref<80080xf32, #tpu.memory_space<vmem>> -> memref<80080xf32, #tpu.memory_space<vmem>>
    %dma_wait3A_61 = arith.constant 0 : i32
    %dma_wait3A_62 = tpu.memref_slice %arg2[%dma_wait3A_61] : memref<2560000xf32, #tpu.memory_space<hbm>> -> memref<80080xf32, #tpu.memory_space<hbm>>
    tpu.wait_dma2 semaphore(%arg5 : memref<!tpu.dma_semaphore, #tpu.memory_space<semaphore_mem>>) src(%dma_wait3A_62 : memref<80080xf32, #tpu.memory_space<hbm>>) dst(%dma_wait3A_60 : memref<80080xf32, #tpu.memory_space<vmem>>)
    %dma_wait3A_63 = arith.constant 0 : i32
    %dma_wait3A_64 = tpu.memref_slice %arg4[%dma_wait3A_63] : memref<80080xf32, #tpu.memory_space<vmem>> -> memref<39440xf32, #tpu.memory_space<vmem>>
    %dma_wait3A_65 = arith.constant 0 : i32
    %dma_wait3A_66 = tpu.memref_slice %arg2[%dma_wait3A_65] : memref<2560000xf32, #tpu.memory_space<hbm>> -> memref<39440xf32, #tpu.memory_space<hbm>>
    %dma_wait3A_67 = arith.constant 0 : i32
    %dma_wait3A_68 = tpu.memref_slice %arg4[%dma_wait3A_67] : memref<80080xf32, #tpu.memory_space<vmem>> -> memref<39440xf32, #tpu.memory_space<vmem>>
    %dma_wait3A_69 = arith.constant 0 : i32
    %dma_wait3A_70 = tpu.memref_slice %arg2[%dma_wait3A_69] : memref<2560000xf32, #tpu.memory_space<hbm>> -> memref<39440xf32, #tpu.memory_space<hbm>>
    tpu.wait_dma2 semaphore(%arg5 : memref<!tpu.dma_semaphore, #tpu.memory_space<semaphore_mem>>) src(%dma_wait3A_70 : memref<39440xf32, #tpu.memory_space<hbm>>) dst(%dma_wait3A_68 : memref<39440xf32, #tpu.memory_space<vmem>>)
    return
  }
}

</mosaic_0001>

<sc_bundles>
// kernel: kernel.3.cloned.1.call-start
scs
__scs_entry_jumppad:
0x0: {  	(pc) =	sbr.rel $0x88, $3  }
0x1: {  	(tag) =	ssettag $0x0;
	lr =	simm.s32 $0x1  }
0x2: {  	[smem:$0x3FA0] =	sst lr;
	_ =	strace $0xD0000000  }
0x3: {  	_ = 	snop  }
0x4: {  	_ = 	snop  }
0x5: {  	_ = 	snop  }
0x6: {  	_ = 	snop  }
0x7: {  	_ = 	snop  }
__scs_overlays_trampoline_lowered:
0x8: {  	[smem:$0x3FAF] =	sst s0  }
0x9: {  	[smem:$0x3FB0] =	sst s1  }
0xa: {  	[smem:$0x3FB1] =	sst s2  }
0xb: {  	[smem:$0x3FB2] =	sst s3  }
0xc: {  	[smem:$0x3FB3] =	sst s4  }
0xd: {  	[smem:$0x3FB4] =	sst s5  }
0xe: {  	[smem:$0x3FB5] =	sst s6  }
0xf: {  	[smem:$0x3FB6] =	sst s7  }
0x10: {  	[smem:$0x3FB7] =	sst s8  }
0x11: {  	[smem:$0x3FB8] =	sst s9;
	s0 =	simm.s32 @!p0 $0x0  }
0x12: {  	s1 =	sld [smem:$0x3F9E];
	s0 =	simm.s32 @p0 $0x1  }
0x13: {  	[smem:$0x3FB9] =	sst s0;
	s0 =	simm.s32 @!p1 $0x0  }
0x14: {  	s2 =	sld [smem:$0x3F9D];
	s0 =	simm.s32 @p1 $0x1  }
0x15: {  	[smem:$0x3FBA] =	sst s0;
	s0 =	simm.s32 @!p2 $0x0  }
0x16: {  	s3 =	sld [smem:$0x3FDB];
	s0 =	simm.s32 @p2 $0x1  }
0x17: {  	s4 =	simm.s32 $0x1BF5;
	[smem:$0x3FBC] =	sst s0  }
0x18: {  	s0 =	sld [smem:$0x3F9F];
	_ =	swait.ge [sflag:s4], $0x0  }
0x19: {  	s7 =	sld [smem:$0x3FA0]  }
0x1a: {  	s8 =	sadd.s32 $0xFFFFE003, lr  }
0x1b: {  	s9 =	sadd.s32 $0xFFFFFEF7, lr;
	s5 =	simm.s32 $0xFFFFFFFF;
	p2 =	slt.u32 s8, $0xFFFFF086  }
0x1c: {  	p1 =	slt.u32 s9, $0xF7A;
	s5 =	simm.s32 @!p2 $0x0  }
0x1d: {  	s5 =	simm.s32 @p1 $0x1;
	p0 =	seq.s32 s7, s2  }
0x1e: {  	s7 =	smul.u32 @!p0 $0xF7A, s2;
	p2 =	seq.s32 @!p0 s5, $0x0  }
0x1f: {  	s9 =	smul.u32 $0xF7A, s1;
	s8 =	simm.s32 @!p0 $0x1BF5;
	p2 =	por !p2, p0  }
0x20: {  	[sflag:s8] =	ssyncset.s32 @!p0 $0xFFFFF086;
	s6 =	sadd.s32 @!p0 s3, s7;
	s7 =	simm.s32 @!p0 $0x108  }
0x21: {  	s3 =	sadd.s32 s3, s9;
	s6 =	sadd.s32 @!p0 $0x88, s6;
	s7 =	simm.s32 @p2 $0x1082  }
0x22: {  	[simem:s7], [sflag:s8] =	dma.local @!p0 [hbm:s6], $0xF7A  }
0x23: {  	s9 =	sor.u32 $0xD0000000, s2;
	s6 =	simm.s32 $0x108;
	_ =	swait.ge @!p0 [sflag:s8], $0x0  }
0x24: {  	s3 =	sadd.s32 $0x88, s3;
	s6 =	simm.s32 @!p1 $0x1082;
	[sflag:s4] =	ssyncset.s32 $0xFFFFF086  }
0x25: {  	[simem:s6], [sflag:s4] =	dma.local [hbm:s3], $0xF7A  }
0x26: {  	[smem:$0x3FA0] =	sst s1;
	(tag) =	ssettag s2;
	_ =	strace s9  }
0x27: {  	s1 =	sld [smem:$0x3FB0]  }
0x28: {  	s2 =	sld [smem:$0x3FB1]  }
0x29: {  	s4 =	sld [smem:$0x3FB3]  }
0x2a: {  	p0 =	seq.s32 s5, $0x0;
	s5 =	sld [smem:$0x3FB4]  }
0x2b: {  	s6 =	sld [smem:$0x3FB5]  }
0x2c: {  	s7 =	sld [smem:$0x3FB6]  }
0x2d: {  	s3 =	simm.s32 $0x108;
	s8 =	sld [smem:$0x3FB7]  }
0x2e: {  	s3 =	simm.s32 @!p0 $0x1082;
	s9 =	sld [smem:$0x3FB8]  }
0x2f: {  	lr =	sadd.s32 s0, s3;
	s0 =	sld [smem:$0x3FAF]  }
0x30: {  	s3 =	sld [smem:$0x3FB2]  }
0x31: {  	[smem:$0x3FBB] =	sst s10  }
0x32: {  	s10 =	sld [smem:$0x3FB9];
	_ =	sdelay $0x3  }
0x33: {  	p0 =	seq.s32 s10, $0x1;
	s10 =	sld [smem:$0x3FBB];
	_ =	sdelay $0x3  }
0x34: {  	[smem:$0x3FBB] =	sst s10  }
0x35: {  	s10 =	sld [smem:$0x3FBA];
	_ =	sdelay $0x3  }
0x36: {  	p1 =	seq.s32 s10, $0x1;
	s10 =	sld [smem:$0x3FBB];
	_ =	sdelay $0x3  }
0x37: {  	[smem:$0x3FBB] =	sst s10  }
0x38: {  	s10 =	sld [smem:$0x3FBC]  }
0x39: {  	_ = 	snop;
	(pc) =	sbr.ind lr, $3  }
0x3a: {  	_ = 	snop  }
0x3b: {  	_ = 	snop  }
0x3c: {  	p2 =	seq.s32 s10, $0x1;
	s10 =	sld [smem:$0x3FBB]  }
0x3d: {  	_ =	shalt  }
0x3e: {  	_ =	shalt  }
0x3f: {  	_ =	shalt  }
0x40: {  	_ =	shalt  }
0x41: {  	_ =	shalt  }
0x42: {  	_ =	shalt  }
0x43: {  	_ =	shalt  }
0x44: {  	_ =	shalt  }
0x45: {  	_ =	shalt  }
0x46: {  	_ =	shalt  }
0x47: {  	_ =	shalt  }
0x48: {  	_ =	shalt  }
0x49: {  	_ =	shalt  }
0x4a: {  	_ =	shalt  }
0x4b: {  	_ =	shalt  }
0x4c: {  	_ =	shalt  }
0x4d: {  	_ =	shalt  }
0x4e: {  	_ =	shalt  }
0x4f: {  	_ =	shalt  }
0x50: {  	_ =	shalt  }
0x51: {  	_ =	shalt  }
0x52: {  	_ =	shalt  }
0x53: {  	_ =	shalt  }
0x54: {  	_ =	shalt  }
0x55: {  	_ =	shalt  }
0x56: {  	_ =	shalt  }
0x57: {  	_ =	shalt  }
0x58: {  	_ =	shalt  }
0x59: {  	_ =	shalt  }
0x5a: {  	_ =	shalt  }
0x5b: {  	_ =	shalt  }
0x5c: {  	_ =	shalt  }
0x5d: {  	_ =	shalt  }
0x5e: {  	_ =	shalt  }
0x5f: {  	_ =	shalt  }
0x60: {  	_ =	shalt  }
0x61: {  	_ =	shalt  }
0x62: {  	_ =	shalt  }
0x63: {  	_ =	shalt  }
0x64: {  	_ =	shalt  }
0x65: {  	_ =	shalt  }
0x66: {  	_ =	shalt  }
0x67: {  	_ =	shalt  }
0x68: {  	_ =	shalt  }
0x69: {  	_ =	shalt  }
0x6a: {  	_ =	shalt  }
0x6b: {  	_ =	shalt  }
0x6c: {  	_ =	shalt  }
0x6d: {  	_ =	shalt  }
0x6e: {  	_ =	shalt  }
0x6f: {  	_ =	shalt  }
0x70: {  	_ =	shalt  }
0x71: {  	_ =	shalt  }
0x72: {  	_ =	shalt  }
0x73: {  	_ =	shalt  }
0x74: {  	_ =	shalt  }
0x75: {  	_ =	shalt  }
0x76: {  	_ =	shalt  }
0x77: {  	_ =	shalt  }
0x78: {  	_ =	shalt  }
0x79: {  	_ =	shalt  }
0x7a: {  	_ =	shalt  }
0x7b: {  	_ =	shalt  }
0x7c: {  	_ =	shalt  }
0x7d: {  	_ =	shalt  }
0x7e: {  	_ =	shalt  }
0x7f: {  	_ =	shalt  }
0x80: {  	_ =	shalt  }
0x81: {  	_ =	shalt  }
0x82: {  	_ =	shalt  }
0x83: {  	_ =	shalt  }
0x84: {  	_ =	shalt  }
0x85: {  	_ =	shalt  }
0x86: {  	_ =	shalt  }
0x87: {  	_ =	shalt  }
.Lfunc_end0:
.L_simem_size_0:
called_computation_lowered:
.L_overlay_start_0:
0x88: {  	s2 =	sld [smem:$0x3FD9]  }
0x89: {  	s3 =	sld [smem:$0x3FFE];
	_ =	sdelay $0x1  }
0x8a: {  	s1 =	srdreg.scid  }
0x8b: {  	s0 =	sand.u32 $0x1, s1  }
0x8c: {  	s17 =	sshll.u32 s0, $0xA;
	s2 =	sadd.s32 s3, s2  }
0x8d: {  	s2 =	sadd.s32 s2, s17  }
0x8e: {  	[smem:$0x3FC7] =	sst s2  }
0x8f: {  	_ = 	snop  }
0x90: {  	s2 =	sld [smem:$0x3FD0];
	(tm) =	ssettm $0x1  }
0x91: {  	s18 =	sld [smem:$0x3FFB];
	_ =	sdelay $0x3  }
0x92: {  	_ =	strace s18  }
0x93: {  	s3 =	sld [smem:$0x3FFC];
	_ =	sdelay $0x3  }
0x94: {  	_ =	strace s3  }
0x95: {  	s3 =	sld [smem:$0x3FFD];
	_ =	sdelay $0x3  }
0x96: {  	_ =	strace s3  }
0x97: {  	_ =	strace $0x8FFFFFFF  }
0x98: {  	s19 =	sld [smem:$0x3FDB];
	_ =	sdelay $0x1  }
0x99: {  	s4 =	simm.s32 $_scs_section_size  }
0x9a: {  	s5 =	simm.s32 $_size__tile_overlayer_lowered;
	s6 =	simm.s32 $_tile_overlayer_lowered  }
0x9b: {  	s22 =	simm.s32 $0x1BFF;
	s21 =	sshll.u32 s6, $0x1;
	s3 =	sadd.s32 s4, s19  }
0x9c: {  	s7 =	simm.s32 $0x0;
	s20 =	sshll.u32 s5, $0x1;
	s5 =	sadd.s32 s21, s3  }
0x9d: {  	[timem:s7], [sflag:s22] =	dma.local [hbm:s5], s20  }
0x9e: {  	_ =	swait.ge [sflag:s22], s20  }
0x9f: {  	s4 =	ssub.s32 $0x0, s20;
	[sflag:s22] =	ssyncset.done $0x0  }
0xa0: {  	[sflag:s22] =	ssyncadd.s32 s4;
	_ =	sdelay $0x1  }
0xa1: {  	s23 =	simm.s32 $0x1B8B  }
0xa2: {  	_ =	swait.ge [sflag:s23], $0x1  }
0xa3: {  	[sflag:s23] =	ssyncset.done $0x0  }
0xa4: {  	s25 =	simm.s32 $0x1B8E;
	s24 =	sld [smem:$0x3FFE];
	[sflag:s23] =	ssyncadd.s32 $0xFFFFFFFF  }
0xa5: {  	s26 =	simm.s32 $execute0_lowered;
	[smem:$0x3FD2] =	sst s25  }
0xa6: {  	s5 =	sshll.u32 s26, $0x1;
	_ =	strace $0x80000046;
	[dreg:$0x1] =	wrdreg $0xFFFFFFFF  }
0xa7: {  	s28 =	simm.s32 $_size_execute0_lowered;
	s3 =	sadd.s32 s3, s5;
	[dreg:$0x0] =	wrdreg $0x0  }
0xa8: {  	s5 =	sshll.u32 s28, $0x1;
	[dreg:$0x2] =	wrdreg s3  }
0xa9: {  	[dreg:$0x3] =	wrdreg s5  }
0xaa: {  	[dreg:$0x4] =	wrdreg $0xC0  }
0xab: {  	_ =	task [dreg:s7], $0x5FFFF  }
0xac: {  	[dreg:$0x1] =	wrdreg $0xFFFFFFFF  }
0xad: {  	[dreg:$0x0] =	wrdreg $0x60  }
0xae: {  	[dreg:$0x2] =	wrdreg s24  }
0xaf: {  	[dreg:$0x3] =	wrdreg s2  }
0xb0: {  	[dreg:$0x4] =	wrdreg $0x9  }
0xb1: {  	_ =	task.clear_ibuf [dreg:s7], $0x5FFFF;
	_ =	strace $0x90000046  }
0xb2: {  	s29 =	simm.s32 $0x9;
	_ =	strace $0x80000048  }
0xb3: {  	_ =	swait.ge [sflag:s29], $0x1  }
0xb4: {  	[sflag:s29] =	ssyncadd.s32 $0xFFFFFFFF  }
0xb5: {  	_ =	strace $0x90000048  }
0xb6: {  	_ =	sfence  }
0xb7: {  	s30 =	sld [smem:$0x0];
	_ =	sdelay $0x2  }
0xb8: {  	s31 =	sshll.u32 s1, $0xD;
	s1 =	sshrl.u32 s1, $0x2  }
0xb9: {  	s3 =	sand.u32 $0x4000, s31;
	s1 =	sadd.s32 s1, s30  }
0xba: {  	s0 =	sor.u32 s3, s0;
	s1 =	sshll.u32 s1, $0x11  }
0xbb: {  	s0 =	sor.u32 s1, s0  }
0xbc: {  	s0 =	sadd.s32 $0x8F2B, s0  }
0xbd: {  	[sflag:s0] =	ssyncadd.remote.s32 $0x1  }
0xbe: {  	_ =	sfence.sel $0xFFFF  }
0xbf: {  	[dreg:$0x0] =	wrdreg $0xFFFFFFFF;
	(pc) =	sbr.abs _section_cstart, $3  }
0xc0: {  	[dreg:$0x1] =	wrdreg $0xFFFFFFFF  }
0xc1: {  	_ =	task.clear_ibuf [dreg:s7], $0x2FFFF;
	_ =	strace $0x9FFFFFFF  }
0xc2: {  	(tm) =	ssettm $0x7FFFFFFF  }
0xc3: {  	_ =	shalt  }
tec
execute0_lowered:
.L_overlay_start_1:
0x0: {  	(tag) =	ssettag $0x1  }
0x1: {  	s1 =	srdreg.scid  }
0x2: {  	s0 =	stileid.u32;
	s5 =	sand.u32 $0x1, s1  }
0x3: {  	s1 =	sor.u32 s5, s0  }
0x4: {  	p1 =	seq.s32 s5, $0x1;
	p0 =	seq.s32 s1, $0x0  }
0x5: {  	p0 =	por !p0, !p1  }
0x6: {  	s1 =	simm.s32 $0x1;
	p0 =	por !p0, !p0  }
0x7: {  	s1 =	simm.s32 @!p0 $0x0  }
0x8: {  	s4 =	rddreg [dreg:$0x0];
	s7 =	smul.u32 $0x137E0, s5;
	s1 =	ssub.s32 s0, s1  }
0x9: {  	s2 =	rddreg [dreg:$0x1];
	s3 =	simm.s32 $0x0;
	s6 =	smul.u32 $0x27100, s1  }
0xa: {  	[smem:$0x7FF] =	sst s3;
	s9 =	smul.u32 $0x61760, s0;
	s8 =	ssub.s32 $0x2, s5  }
0xb: {  	s31 =	sshrl.u32 s8, $0x1;
	s6 =	sadd.s32 s7, s6;
	s7 =	simm.s32 $0xFFFFFFFF  }
0xc: {  	s10 =	smul.u32 $0x30BB0, s5;
	s8 =	ssub.s32 s8, s31;
	s7 =	simm.s32 @!p0 $0x0  }
0xd: {  	s1 =	rddreg [dreg:$0x2];
	s6 =	sshrl.u32 s6, $0x3;
	s7 =	smul.u32 $0x61760, s7  }
0xe: {  	_ =	strace $0x80000047;
	s6 =	sadd.s32 s6, s4;
	s4 =	simm.s32 $0x1  }
0xf: {  	s5 =	sadd.s32 $0x600, s6;
	s6 =	smax.u32 s8, $0x1;
	s7 =	sadd.s32 s7, s9  }
0x10: {  	s8 =	simm.s32 $0x2;
	s9 =	simm.s32 $0x0;
	s7 =	sadd.s32 s10, s7  }
.LBB2_1:
0x11: {  	[tilespmem:s3], [sflag:$0x2] =	stream.linear.gather [hbm4b:s5+s3], $0x138D0, $0x38;
	[tilespmem:$0x13900] =	vst v63  }
0x12: {  	s10 =	sadd.s32 $0x0, s7;
	_ =	swait.ge [sflag:s8], $0x138D0  }
0x13: {  	s10 =	sshrl.u32 s10, $0x3;
	[sflag:s8] =	ssyncset.done $0x0  }
0x14: {  	s10 =	sadd.s32 s2, s10;
	[sflag:s8] =	ssyncadd.s32 $0xFFFEC730  }
0x15: {  	[hbm4b:s10+s3] =	stream.linear.scatter [tilespmem:s3], [sflag:$0x1], $0x190, $0x38;
	[tilespmem:$0x13900] =	vst v63  }
0x16: {  	s11 =	simm.s32 $0x0;
	s10 =	simm.s32 $0x190  }
.LBB2_2:
0x17: {  	p0 =	sne.s32 s10, $0x30A20  }
.Ltmp0:
0x18: {  	_ = 	snop;
	(pc) =	sbr.rel @p0 .LBB2_2-.Ltmp0, $4  }
0x19: {  	s12 =	sadd.s32 s10, s7  }
0x1a: {  	s12 =	sshrl.u32 s12, $0x3  }
0x1b: {  	s10 =	sadd.s32 $0x190, s10;
	s11 =	sadd.s32 $0xA0, s11;
	s12 =	sadd.s32 s2, s12  }
0x1c: {  	[hbm4b:s12+s3] =	stream.linear.scatter [tilespmem:s11], [sflag:$0x1], $0x190, $0x38;
	[tilespmem:$0x13900] =	vst v63  }
0x1d: {  	_ =	swait.ge [sflag:s4], $0x138D0  }
0x1e: {  	[sflag:s4] =	ssyncset.done $0x0  }
0x1f: {  	s9 =	sadd.s32 $0x1, s9;
	[sflag:s4] =	ssyncadd.s32 $0xFFFEC730  }
0x20: {  	p0 =	sne.s32 s9, s6;
	_ =	swait.ge [sflag:s4], $0x138D0  }
.Ltmp1:
0x21: {  	[sflag:s4] =	ssyncset.done $0x0;
	(pc) =	sbr.rel @p0 .LBB2_1-.Ltmp1, $4  }
0x22: {  	[sflag:s4] =	ssyncadd.s32 $0xFFFEC730  }
0x23: {  	_ =	swait.ge [sflag:s4], $0x9A10  }
0x24: {  	[sflag:s4] =	ssyncset.done $0x0  }
0x25: {  	[sflag:s4] =	ssyncadd.s32 $0xFFFF65F0  }
0x26: {  	_ =	sfence.sel $0x180000  }
0x27: {  	[bflag:$0x0] =	sbarrier.arrive $0xFFFF  }
0x28: {  	p0 =	sne.s32 s0, $0x0;
	_ =	strace $0x90000047  }
0x29: {  	s0 =	sadd.s32 @!p0 $0x100000, s1;
	[bflag:$0x2] =	sbarrier.arrive $0xFFFF  }
0x2a: {  	[sflag:s0] =	ssyncadd.tile.s32 @!p0 $0x1;
	_ =	shalt  }
.Lfunc_end2:
_tile_overlayer_lowered:
.L_overlay_start_2:
0x2b: {  	(tag) =	ssettag $0x2  }
0x2c: {  	s0 =	rddreg [dreg:$0x0];
	s2 =	stileid.u32  }
0x2d: {  	s1 =	rddreg [dreg:$0x1];
	p0 =	sne.s32 s2, $0x0  }
0x2e: {  	s3 =	rddreg [dreg:$0x2];
	[bflag:$0x3] =	sbarrier.arrive $0xFFFF;
	s2 =	simm.s32 @!p0 $0x1C02  }
0x2f: {  	[timem:s3], [sflag:s2] =	dma.local @!p0 [hbm:s0], s1  }
0x30: {  	s0 =	simm.s32 @!p0 $0x2  }
0x31: {  	_ =	swait.ge @!p0 [sflag:s0], s1  }
0x32: {  	s1 =	ssub.s32 @!p0 $0x0, s1;
	[sflag:s0] =	ssyncset.done @!p0 $0x0  }
0x33: {  	[sflag:s0] =	ssyncadd.s32 @!p0 s1  }
0x34: {  	[bflag:$0x3] =	sbarrier.arrive $0xFFFF  }
0x35: {  	_ =	shalt  }

</sc_bundles>
